<compile_context>
chip_gen: v7x
topology: tpu7x:2x2x1
jax: 0.10.2.dev20260603
libtpu: 0.0.44.dev20260713+nightly
codegen_flags: <defaults>
</compile_context>

<pallas_src>
import functools

import jax
import jax.numpy as jnp
from jax import lax
from jax.experimental import pallas as pl
from jax.experimental.pallas import tpu as pltpu
from jax.experimental.pallas import tpu_sc as plsc

B = 16384
NC = 1
NS = 16
NW = NC * NS
CHUNK = B // NW
H = CHUNK // 2
L = 16

_mesh = plsc.VectorSubcoreMesh(
    core_axis_name="c", subcore_axis_name="s", num_cores=NC
)


@functools.partial(
    pl.kernel,
    mesh=_mesh,
    out_type=jax.ShapeDtypeStruct((2, B), jnp.float32),
    scratch_types=[
        pltpu.VMEM((L,), jnp.float32),
        pltpu.VMEM((CHUNK,), jnp.int32),
        pltpu.VMEM((2, CHUNK), jnp.float32),
        pltpu.SemaphoreType.DMA,
        pltpu.SemaphoreType.DMA,
        pltpu.SemaphoreType.DMA,
        pltpu.SemaphoreType.DMA,
    ],
)
def _policy_sc(logits_hbm, state_hbm, out_hbm, tbl_v, st_v, o_v,
               sem_t, sem_a, sem_b, sem_o):
    wid = lax.axis_index("s") * NC + lax.axis_index("c")
    base = wid * CHUNK
    tbl_dma = pltpu.async_copy(logits_hbm, tbl_v, sem_t)
    in_dmas = [
        pltpu.async_copy(
            state_hbm.at[pl.ds(base + h * H, H)],
            st_v.at[pl.ds(h * H, H)],
            sem,
        )
        for h, sem in ((0, sem_a), (1, sem_b))
    ]
    tbl_dma.wait()
    s = 1.0 / (1.0 + jnp.exp(-tbl_v[...]))

    out_dmas = []
    for h in (0, 1):
        in_dmas[h].wait()

        @plsc.parallel_loop(0, H // L, unroll=4)
        def _body(i):
            sl = pl.ds(h * H + i * L, L)
            p1 = s.at[st_v[sl]].get(mode="promise_in_bounds")
            o_v[1, sl] = p1
            o_v[0, sl] = 1.0 - p1

        out_dmas.append(
            pltpu.async_copy(
                o_v.at[:, pl.ds(h * H, H)],
                out_hbm.at[:, pl.ds(base + h * H, H)],
                sem_o,
            )
        )
    for dma in out_dmas:
        dma.wait()


def kernel(state, logits):
    logits16 = jnp.pad(logits.astype(jnp.float32), (0, L - 2))
    return _policy_sc(logits16, state.astype(jnp.int32))

# --- scband reference (transcript-rebuilt; emitter-appended) ---
"""Pipeline reference for scband-simple-policy-18983755448813 (READ-ONLY COPY).

The authoritative reference and input builder live on the scoring server;
editing this copy changes nothing except your own understanding.
"""

import jax, jax.numpy as jnp
import numpy as np


def setup_inputs(seed: int = 0) -> dict:
    key = jax.random.key(seed)
    k1, k2 = jax.random.split(key)
    # state indices into the 2-entry logits parameter
    state = jax.random.randint(k1, (16384,), 0, 2).astype(jnp.int64) if jax.config.jax_enable_x64 else jax.random.randint(k1, (16384,), 0, 2)
    # learned parameter: nn.Parameter(torch.zeros(2)); use small random init for a non-degenerate check
    logits = jax.random.normal(k2, (2,), dtype=jnp.float32) * 0.1
    return {"state": state, "logits": logits}


def reference(state, logits):
    # logit = self.logits[state]  -> gather
    logit = jnp.take(logits, state, axis=0)
    # prob_continue = sigmoid(logit)
    prob_continue = jax.nn.sigmoid(logit)
    # probs = torch.stack([1 - prob_continue, prob_continue]) -> shape [2, B]
    probs = jnp.stack([1.0 - prob_continue, prob_continue])
    return probs

if __name__ == "__main__":
    import jax
    _d = setup_inputs()
    print(jax.jit(kernel)(*tuple(_d.values())))

</pallas_src>

<mosaic_0001>
#map = affine_map<(d0, d1) -> (0)>
#map1 = affine_map<(d0, d1) -> (0, 0)>
module attributes {stable_mosaic.version = 14 : i64} {
  func.func @_policy_sc(%arg0: i32, %arg1: i32, %arg2: memref<16xf32, #tpu.memory_space<hbm>>, %arg3: memref<16384xi32, #tpu.memory_space<hbm>>, %arg4: memref<2x16384xf32, #tpu.memory_space<hbm>>, %arg5: memref<16xf32, #tpu.memory_space<vmem>>, %arg6: memref<1024xi32, #tpu.memory_space<vmem>>, %arg7: memref<2x1024xf32, #tpu.memory_space<vmem>>, %arg8: memref<!tpu.dma_semaphore, #tpu.memory_space<semaphore_mem>>, %arg9: memref<!tpu.dma_semaphore, #tpu.memory_space<semaphore_mem>>, %arg10: memref<!tpu.dma_semaphore, #tpu.memory_space<semaphore_mem>>, %arg11: memref<!tpu.dma_semaphore, #tpu.memory_space<semaphore_mem>>) attributes {dimension_semantics = [#tpu.dimension_semantics<core_parallel>, #tpu.dimension_semantics<subcore_parallel>], iteration_bounds = array<i64: 1, 16>, scalar_prefetch = 0 : i64, scratch_operands = 7 : i64, tpu.core_type = #tpu.core_type<sc_vector_subcore>, window_params = [{transform_indices = #map}, {transform_indices = #map}, {transform_indices = #map1}]} {
    %mul3A = arith.constant 1 : i32
    %mul3A_0 = arith.muli %arg1, %mul3A : i32
    %add3A = arith.addi %mul3A_0, %arg0 : i32
    %mul3A_1 = arith.constant 1024 : i32
    %mul3A_2 = arith.muli %add3A, %mul3A_1 : i32
    tpu.enqueue_dma source(%arg2 : memref<16xf32, #tpu.memory_space<hbm>>) target(%arg5 : memref<16xf32, #tpu.memory_space<vmem>>) target_semaphore(%arg8 : memref<!tpu.dma_semaphore, #tpu.memory_space<semaphore_mem>>)
    %add3A_3 = arith.constant 0 : i32
    %add3A_4 = arith.addi %mul3A_2, %add3A_3 : i32
    %dma_start3A = arith.constant 0 : i32
    %dma_start3A_5 = tpu.memref_slice %arg6[%dma_start3A] : memref<1024xi32, #tpu.memory_space<vmem>> -> memref<512xi32, #tpu.memory_space<vmem>>
    %dma_start3A_6 = tpu.memref_slice %arg3[%add3A_4] : memref<16384xi32, #tpu.memory_space<hbm>> -> memref<512xi32, #tpu.memory_space<hbm>>
    %dma_start3A_7 = arith.constant 0 : i32
    %dma_start3A_8 = tpu.memref_slice %arg6[%dma_start3A_7] : memref<1024xi32, #tpu.memory_space<vmem>> -> memref<512xi32, #tpu.memory_space<vmem>>
    %dma_start3A_9 = tpu.memref_slice %arg3[%add3A_4] : memref<16384xi32, #tpu.memory_space<hbm>> -> memref<512xi32, #tpu.memory_space<hbm>>
    tpu.enqueue_dma source(%dma_start3A_9 : memref<512xi32, #tpu.memory_space<hbm>>) target(%dma_start3A_8 : memref<512xi32, #tpu.memory_space<vmem>>) target_semaphore(%arg9 : memref<!tpu.dma_semaphore, #tpu.memory_space<semaphore_mem>>)
    %add3A_10 = arith.constant 512 : i32
    %add3A_11 = arith.addi %mul3A_2, %add3A_10 : i32
    %dma_start3A_12 = arith.constant 512 : i32
    %dma_start3A_13 = tpu.memref_slice %arg6[%dma_start3A_12] : memref<1024xi32, #tpu.memory_space<vmem>> -> memref<512xi32, #tpu.memory_space<vmem>>
    %dma_start3A_14 = tpu.memref_slice %arg3[%add3A_11] : memref<16384xi32, #tpu.memory_space<hbm>> -> memref<512xi32, #tpu.memory_space<hbm>>
    %dma_start3A_15 = arith.constant 512 : i32
    %dma_start3A_16 = tpu.memref_slice %arg6[%dma_start3A_15] : memref<1024xi32, #tpu.memory_space<vmem>> -> memref<512xi32, #tpu.memory_space<vmem>>
    %dma_start3A_17 = tpu.memref_slice %arg3[%add3A_11] : memref<16384xi32, #tpu.memory_space<hbm>> -> memref<512xi32, #tpu.memory_space<hbm>>
    tpu.enqueue_dma source(%dma_start3A_17 : memref<512xi32, #tpu.memory_space<hbm>>) target(%dma_start3A_16 : memref<512xi32, #tpu.memory_space<vmem>>) target_semaphore(%arg10 : memref<!tpu.dma_semaphore, #tpu.memory_space<semaphore_mem>>)
    tpu.wait_dma2 semaphore(%arg8 : memref<!tpu.dma_semaphore, #tpu.memory_space<semaphore_mem>>) src(%arg2 : memref<16xf32, #tpu.memory_space<hbm>>) dst(%arg5 : memref<16xf32, #tpu.memory_space<vmem>>)
    %get3A = arith.constant 0 : index
    %get3A_18 = tpu.vector_load %arg5[%get3A] {strides = array<i32>} : memref<16xf32, #tpu.memory_space<vmem>>, vector<16xf32>,
    %get3A_19 = vector.shape_cast %get3A_18 : vector<16xf32> to vector<16xf32>
    %neg3A = arith.constant 0.000000e+00 : f32
    %neg3A_20 = vector.broadcast %neg3A : f32 to vector<16xf32>
    %neg3A_21 = arith.subf %neg3A_20, %get3A_19 : vector<16xf32>
    %exp3A = math.exp %neg3A_21 : vector<16xf32>
    %add3A_22 = arith.constant 1.000000e+00 : f32
    %add3A_23 = vector.broadcast %add3A_22 : f32 to vector<16xf32>
    %add3A_24 = arith.addf %add3A_23, %exp3A : vector<16xf32>
    %div3A = arith.constant 1.000000e+00 : f32
    %div3A_25 = vector.broadcast %div3A : f32 to vector<16xf32>
    %div3A_26 = arith.divf %div3A_25, %add3A_24 : vector<16xf32>
    %dma_wait3A = arith.constant 0 : i32
    %dma_wait3A_27 = tpu.memref_slice %arg6[%dma_wait3A] : memref<1024xi32, #tpu.memory_space<vmem>> -> memref<512xi32, #tpu.memory_space<vmem>>
    %dma_wait3A_28 = tpu.memref_slice %arg3[%add3A_4] : memref<16384xi32, #tpu.memory_space<hbm>> -> memref<512xi32, #tpu.memory_space<hbm>>
    %dma_wait3A_29 = arith.constant 0 : i32
    %dma_wait3A_30 = tpu.memref_slice %arg6[%dma_wait3A_29] : memref<1024xi32, #tpu.memory_space<vmem>> -> memref<512xi32, #tpu.memory_space<vmem>>
    %dma_wait3A_31 = tpu.memref_slice %arg3[%add3A_4] : memref<16384xi32, #tpu.memory_space<hbm>> -> memref<512xi32, #tpu.memory_space<hbm>>
    tpu.wait_dma2 semaphore(%arg9 : memref<!tpu.dma_semaphore, #tpu.memory_space<semaphore_mem>>) src(%dma_wait3A_31 : memref<512xi32, #tpu.memory_space<hbm>>) dst(%dma_wait3A_30 : memref<512xi32, #tpu.memory_space<vmem>>)
    %parallel_loop3A = arith.constant 0 : i32
    %parallel_loop3A_32 = arith.constant 32 : i32
    %parallel_loop3A_33 = arith.constant 1 : i32
    scf.for %parallel_loop3A_87 = %parallel_loop3A to %parallel_loop3A_32 step %parallel_loop3A_33  : i32 {
      %parallel_loop3A_88 = arith.constant 16 : i32
      %parallel_loop3A_89 = arith.muli %parallel_loop3A_87, %parallel_loop3A_88 : i32
      %parallel_loop3A_90 = arith.constant 0 : i32
      %parallel_loop3A_91 = arith.addi %parallel_loop3A_90, %parallel_loop3A_89 : i32
      %parallel_loop3A_92 = arith.index_cast %parallel_loop3A_91 : i32 to index
      %parallel_loop3A_93 = tpu.vector_load %arg6[%parallel_loop3A_92] {strides = array<i32>} : memref<1024xi32, #tpu.memory_space<vmem>>, vector<16xi32>,
      %parallel_loop3A_94 = vector.shape_cast %parallel_loop3A_93 : vector<16xi32> to vector<16xi32>
      %parallel_loop3A_95 = arith.constant 0 : i32
      %parallel_loop3A_96 = vector.broadcast %parallel_loop3A_95 : i32 to vector<16xi32>
      %parallel_loop3A_97 = arith.cmpi slt, %parallel_loop3A_94, %parallel_loop3A_96 : vector<16xi32>
      %parallel_loop3A_98 = arith.constant 16 : i32
      %parallel_loop3A_99 = vector.broadcast %parallel_loop3A_98 : i32 to vector<16xi32>
      %parallel_loop3A_100 = arith.addi %parallel_loop3A_94, %parallel_loop3A_99 : vector<16xi32>
      %parallel_loop3A_101 = arith.select %parallel_loop3A_97, %parallel_loop3A_100, %parallel_loop3A_94 : vector<16xi1>, vector<16xi32>
      %parallel_loop3A_102 = vector.shape_cast %parallel_loop3A_101 : vector<16xi32> to vector<16x1xi32>
      %parallel_loop3A_103 = vector.shape_cast %parallel_loop3A_102 : vector<16x1xi32> to vector<16xi32>
      %parallel_loop3A_104 = tpu.dynamic_gather %div3A_26[%parallel_loop3A_103] in [0] : vector<16xf32>, vector<16xi32> -> vector<16xf32>
      %parallel_loop3A_105 = arith.constant 1 : i32
      %parallel_loop3A_106 = arith.index_cast %parallel_loop3A_105 : i32 to index
      %parallel_loop3A_107 = arith.index_cast %parallel_loop3A_91 : i32 to index
      %parallel_loop3A_108 = tpu.vector_load %arg7[%parallel_loop3A_106, %parallel_loop3A_107] {strides = array<i32>} : memref<2x1024xf32, #tpu.memory_space<vmem>>, vector<1x16xf32>,
      %parallel_loop3A_109 = vector.shape_cast %parallel_loop3A_108 : vector<1x16xf32> to vector<16xf32>
      %parallel_loop3A_110 = vector.shape_cast %parallel_loop3A_104 : vector<16xf32> to vector<1x16xf32>
      tpu.vector_store %arg7[%parallel_loop3A_106, %parallel_loop3A_107], %parallel_loop3A_110 {strides = array<i32>} : memref<2x1024xf32, #tpu.memory_space<vmem>>, vector<1x16xf32>,
      %parallel_loop3A_111 = arith.constant 1.000000e+00 : f32
      %parallel_loop3A_112 = vector.broadcast %parallel_loop3A_111 : f32 to vector<16xf32>
      %parallel_loop3A_113 = arith.subf %parallel_loop3A_112, %parallel_loop3A_104 : vector<16xf32>
      %parallel_loop3A_114 = arith.constant 0 : i32
      %parallel_loop3A_115 = arith.index_cast %parallel_loop3A_114 : i32 to index
      %parallel_loop3A_116 = arith.index_cast %parallel_loop3A_91 : i32 to index
      %parallel_loop3A_117 = tpu.vector_load %arg7[%parallel_loop3A_115, %parallel_loop3A_116] {strides = array<i32>} : memref<2x1024xf32, #tpu.memory_space<vmem>>, vector<1x16xf32>,
      %parallel_loop3A_118 = vector.shape_cast %parallel_loop3A_117 : vector<1x16xf32> to vector<16xf32>
      %parallel_loop3A_119 = vector.shape_cast %parallel_loop3A_113 : vector<16xf32> to vector<1x16xf32>
      tpu.vector_store %arg7[%parallel_loop3A_115, %parallel_loop3A_116], %parallel_loop3A_119 {strides = array<i32>} : memref<2x1024xf32, #tpu.memory_space<vmem>>, vector<1x16xf32>,
    } {sc.loop_unroll_factor = 4 : i64, sc.parallel_access}
    %add3A_34 = arith.constant 0 : i32
    %add3A_35 = arith.addi %mul3A_2, %add3A_34 : i32
    %dma_start3A_36 = arith.constant 0 : i32
    %dma_start3A_37 = arith.constant 0 : i32
    %dma_start3A_38 = tpu.memref_slice %arg7[%dma_start3A_36, %dma_start3A_37] : memref<2x1024xf32, #tpu.memory_space<vmem>> -> memref<2x512xf32, #tpu.memory_space<vmem>>
    %dma_start3A_39 = arith.constant 0 : i32
    %dma_start3A_40 = tpu.memref_slice %arg4[%dma_start3A_39, %add3A_35] : memref<2x16384xf32, #tpu.memory_space<hbm>> -> memref<2x512xf32, #tpu.memory_space<hbm>>
    %dma_start3A_41 = arith.constant 0 : i32
    %dma_start3A_42 = tpu.memref_slice %arg4[%dma_start3A_41, %add3A_35] : memref<2x16384xf32, #tpu.memory_space<hbm>> -> memref<2x512xf32, #tpu.memory_space<hbm>>
    %dma_start3A_43 = arith.constant 0 : i32
    %dma_start3A_44 = arith.constant 0 : i32
    %dma_start3A_45 = tpu.memref_slice %arg7[%dma_start3A_43, %dma_start3A_44] : memref<2x1024xf32, #tpu.memory_space<vmem>> -> memref<2x512xf32, #tpu.memory_space<vmem>>
    tpu.enqueue_dma source(%dma_start3A_45 : memref<2x512xf32, #tpu.memory_space<vmem>>) target(%dma_start3A_42 : memref<2x512xf32, #tpu.memory_space<hbm>>) target_semaphore(%arg11 : memref<!tpu.dma_semaphore, #tpu.memory_space<semaphore_mem>>)
    %dma_wait3A_46 = arith.constant 512 : i32
    %dma_wait3A_47 = tpu.memref_slice %arg6[%dma_wait3A_46] : memref<1024xi32, #tpu.memory_space<vmem>> -> memref<512xi32, #tpu.memory_space<vmem>>
    %dma_wait3A_48 = tpu.memref_slice %arg3[%add3A_11] : memref<16384xi32, #tpu.memory_space<hbm>> -> memref<512xi32, #tpu.memory_space<hbm>>
    %dma_wait3A_49 = arith.constant 512 : i32
    %dma_wait3A_50 = tpu.memref_slice %arg6[%dma_wait3A_49] : memref<1024xi32, #tpu.memory_space<vmem>> -> memref<512xi32, #tpu.memory_space<vmem>>
    %dma_wait3A_51 = tpu.memref_slice %arg3[%add3A_11] : memref<16384xi32, #tpu.memory_space<hbm>> -> memref<512xi32, #tpu.memory_space<hbm>>
    tpu.wait_dma2 semaphore(%arg10 : memref<!tpu.dma_semaphore, #tpu.memory_space<semaphore_mem>>) src(%dma_wait3A_51 : memref<512xi32, #tpu.memory_space<hbm>>) dst(%dma_wait3A_50 : memref<512xi32, #tpu.memory_space<vmem>>)
    %parallel_loop3A_52 = arith.constant 0 : i32
    %parallel_loop3A_53 = arith.constant 32 : i32
    %parallel_loop3A_54 = arith.constant 1 : i32
    scf.for %parallel_loop3A_87 = %parallel_loop3A_52 to %parallel_loop3A_53 step %parallel_loop3A_54  : i32 {
      %parallel_loop3A_88 = arith.constant 16 : i32
      %parallel_loop3A_89 = arith.muli %parallel_loop3A_87, %parallel_loop3A_88 : i32
      %parallel_loop3A_90 = arith.constant 512 : i32
      %parallel_loop3A_91 = arith.addi %parallel_loop3A_90, %parallel_loop3A_89 : i32
      %parallel_loop3A_92 = arith.index_cast %parallel_loop3A_91 : i32 to index
      %parallel_loop3A_93 = tpu.vector_load %arg6[%parallel_loop3A_92] {strides = array<i32>} : memref<1024xi32, #tpu.memory_space<vmem>>, vector<16xi32>,
      %parallel_loop3A_94 = vector.shape_cast %parallel_loop3A_93 : vector<16xi32> to vector<16xi32>
      %parallel_loop3A_95 = arith.constant 0 : i32
      %parallel_loop3A_96 = vector.broadcast %parallel_loop3A_95 : i32 to vector<16xi32>
      %parallel_loop3A_97 = arith.cmpi slt, %parallel_loop3A_94, %parallel_loop3A_96 : vector<16xi32>
      %parallel_loop3A_98 = arith.constant 16 : i32
      %parallel_loop3A_99 = vector.broadcast %parallel_loop3A_98 : i32 to vector<16xi32>
      %parallel_loop3A_100 = arith.addi %parallel_loop3A_94, %parallel_loop3A_99 : vector<16xi32>
      %parallel_loop3A_101 = arith.select %parallel_loop3A_97, %parallel_loop3A_100, %parallel_loop3A_94 : vector<16xi1>, vector<16xi32>
      %parallel_loop3A_102 = vector.shape_cast %parallel_loop3A_101 : vector<16xi32> to vector<16x1xi32>
      %parallel_loop3A_103 = vector.shape_cast %parallel_loop3A_102 : vector<16x1xi32> to vector<16xi32>
      %parallel_loop3A_104 = tpu.dynamic_gather %div3A_26[%parallel_loop3A_103] in [0] : vector<16xf32>, vector<16xi32> -> vector<16xf32>
      %parallel_loop3A_105 = arith.constant 1 : i32
      %parallel_loop3A_106 = arith.index_cast %parallel_loop3A_105 : i32 to index
      %parallel_loop3A_107 = arith.index_cast %parallel_loop3A_91 : i32 to index
      %parallel_loop3A_108 = tpu.vector_load %arg7[%parallel_loop3A_106, %parallel_loop3A_107] {strides = array<i32>} : memref<2x1024xf32, #tpu.memory_space<vmem>>, vector<1x16xf32>,
      %parallel_loop3A_109 = vector.shape_cast %parallel_loop3A_108 : vector<1x16xf32> to vector<16xf32>
      %parallel_loop3A_110 = vector.shape_cast %parallel_loop3A_104 : vector<16xf32> to vector<1x16xf32>
      tpu.vector_store %arg7[%parallel_loop3A_106, %parallel_loop3A_107], %parallel_loop3A_110 {strides = array<i32>} : memref<2x1024xf32, #tpu.memory_space<vmem>>, vector<1x16xf32>,
      %parallel_loop3A_111 = arith.constant 1.000000e+00 : f32
      %parallel_loop3A_112 = vector.broadcast %parallel_loop3A_111 : f32 to vector<16xf32>
      %parallel_loop3A_113 = arith.subf %parallel_loop3A_112, %parallel_loop3A_104 : vector<16xf32>
      %parallel_loop3A_114 = arith.constant 0 : i32
      %parallel_loop3A_115 = arith.index_cast %parallel_loop3A_114 : i32 to index
      %parallel_loop3A_116 = arith.index_cast %parallel_loop3A_91 : i32 to index
      %parallel_loop3A_117 = tpu.vector_load %arg7[%parallel_loop3A_115, %parallel_loop3A_116] {strides = array<i32>} : memref<2x1024xf32, #tpu.memory_space<vmem>>, vector<1x16xf32>,
      %parallel_loop3A_118 = vector.shape_cast %parallel_loop3A_117 : vector<1x16xf32> to vector<16xf32>
      %parallel_loop3A_119 = vector.shape_cast %parallel_loop3A_113 : vector<16xf32> to vector<1x16xf32>
      tpu.vector_store %arg7[%parallel_loop3A_115, %parallel_loop3A_116], %parallel_loop3A_119 {strides = array<i32>} : memref<2x1024xf32, #tpu.memory_space<vmem>>, vector<1x16xf32>,
    } {sc.loop_unroll_factor = 4 : i64, sc.parallel_access}
    %add3A_55 = arith.constant 512 : i32
    %add3A_56 = arith.addi %mul3A_2, %add3A_55 : i32
    %dma_start3A_57 = arith.constant 0 : i32
    %dma_start3A_58 = arith.constant 512 : i32
    %dma_start3A_59 = tpu.memref_slice %arg7[%dma_start3A_57, %dma_start3A_58] : memref<2x1024xf32, #tpu.memory_space<vmem>> -> memref<2x512xf32, #tpu.memory_space<vmem>>
    %dma_start3A_60 = arith.constant 0 : i32
    %dma_start3A_61 = tpu.memref_slice %arg4[%dma_start3A_60, %add3A_56] : memref<2x16384xf32, #tpu.memory_space<hbm>> -> memref<2x512xf32, #tpu.memory_space<hbm>>
    %dma_start3A_62 = arith.constant 0 : i32
    %dma_start3A_63 = tpu.memref_slice %arg4[%dma_start3A_62, %add3A_56] : memref<2x16384xf32, #tpu.memory_space<hbm>> -> memref<2x512xf32, #tpu.memory_space<hbm>>
    %dma_start3A_64 = arith.constant 0 : i32
    %dma_start3A_65 = arith.constant 512 : i32
    %dma_start3A_66 = tpu.memref_slice %arg7[%dma_start3A_64, %dma_start3A_65] : memref<2x1024xf32, #tpu.memory_space<vmem>> -> memref<2x512xf32, #tpu.memory_space<vmem>>
    tpu.enqueue_dma source(%dma_start3A_66 : memref<2x512xf32, #tpu.memory_space<vmem>>) target(%dma_start3A_63 : memref<2x512xf32, #tpu.memory_space<hbm>>) target_semaphore(%arg11 : memref<!tpu.dma_semaphore, #tpu.memory_space<semaphore_mem>>)
    %dma_wait3A_67 = arith.constant 0 : i32
    %dma_wait3A_68 = arith.constant 0 : i32
    %dma_wait3A_69 = tpu.memref_slice %arg7[%dma_wait3A_67, %dma_wait3A_68] : memref<2x1024xf32, #tpu.memory_space<vmem>> -> memref<2x512xf32, #tpu.memory_space<vmem>>
    %dma_wait3A_70 = arith.constant 0 : i32
    %dma_wait3A_71 = tpu.memref_slice %arg4[%dma_wait3A_70, %add3A_35] : memref<2x16384xf32, #tpu.memory_space<hbm>> -> memref<2x512xf32, #tpu.memory_space<hbm>>
    %dma_wait3A_72 = arith.constant 0 : i32
    %dma_wait3A_73 = tpu.memref_slice %arg4[%dma_wait3A_72, %add3A_35] : memref<2x16384xf32, #tpu.memory_space<hbm>> -> memref<2x512xf32, #tpu.memory_space<hbm>>
    %dma_wait3A_74 = arith.constant 0 : i32
    %dma_wait3A_75 = arith.constant 0 : i32
    %dma_wait3A_76 = tpu.memref_slice %arg7[%dma_wait3A_74, %dma_wait3A_75] : memref<2x1024xf32, #tpu.memory_space<vmem>> -> memref<2x512xf32, #tpu.memory_space<vmem>>
    tpu.wait_dma2 semaphore(%arg11 : memref<!tpu.dma_semaphore, #tpu.memory_space<semaphore_mem>>) src(%dma_wait3A_76 : memref<2x512xf32, #tpu.memory_space<vmem>>) dst(%dma_wait3A_73 : memref<2x512xf32, #tpu.memory_space<hbm>>)
    %dma_wait3A_77 = arith.constant 0 : i32
    %dma_wait3A_78 = arith.constant 512 : i32
    %dma_wait3A_79 = tpu.memref_slice %arg7[%dma_wait3A_77, %dma_wait3A_78] : memref<2x1024xf32, #tpu.memory_space<vmem>> -> memref<2x512xf32, #tpu.memory_space<vmem>>
    %dma_wait3A_80 = arith.constant 0 : i32
    %dma_wait3A_81 = tpu.memref_slice %arg4[%dma_wait3A_80, %add3A_56] : memref<2x16384xf32, #tpu.memory_space<hbm>> -> memref<2x512xf32, #tpu.memory_space<hbm>>
    %dma_wait3A_82 = arith.constant 0 : i32
    %dma_wait3A_83 = tpu.memref_slice %arg4[%dma_wait3A_82, %add3A_56] : memref<2x16384xf32, #tpu.memory_space<hbm>> -> memref<2x512xf32, #tpu.memory_space<hbm>>
    %dma_wait3A_84 = arith.constant 0 : i32
    %dma_wait3A_85 = arith.constant 512 : i32
    %dma_wait3A_86 = tpu.memref_slice %arg7[%dma_wait3A_84, %dma_wait3A_85] : memref<2x1024xf32, #tpu.memory_space<vmem>> -> memref<2x512xf32, #tpu.memory_space<vmem>>
    tpu.wait_dma2 semaphore(%arg11 : memref<!tpu.dma_semaphore, #tpu.memory_space<semaphore_mem>>) src(%dma_wait3A_86 : memref<2x512xf32, #tpu.memory_space<vmem>>) dst(%dma_wait3A_83 : memref<2x512xf32, #tpu.memory_space<hbm>>)
    return
  }
}

</mosaic_0001>

<sc_bundles>
// kernel: kernel.3.cloned.1.call-start
scs
__scs_entry_jumppad:
0x0: {  	(pc) =	sbr.rel $0x88, $3  }
0x1: {  	(tag) =	ssettag $0x0;
	lr =	simm.s32 $0x1  }
0x2: {  	[smem:$0x3F9F] =	sst lr;
	_ =	strace $0xD0000000  }
0x3: {  	_ = 	snop  }
0x4: {  	_ = 	snop  }
0x5: {  	_ = 	snop  }
0x6: {  	_ = 	snop  }
0x7: {  	_ = 	snop  }
__scs_overlays_trampoline_lowered:
0x8: {  	[smem:$0x3FAE] =	sst s0  }
0x9: {  	[smem:$0x3FAF] =	sst s1  }
0xa: {  	[smem:$0x3FB0] =	sst s2  }
0xb: {  	[smem:$0x3FB1] =	sst s3  }
0xc: {  	[smem:$0x3FB2] =	sst s4  }
0xd: {  	[smem:$0x3FB3] =	sst s5  }
0xe: {  	[smem:$0x3FB4] =	sst s6  }
0xf: {  	[smem:$0x3FB5] =	sst s7  }
0x10: {  	[smem:$0x3FB6] =	sst s8  }
0x11: {  	[smem:$0x3FB7] =	sst s9;
	s0 =	simm.s32 @!p0 $0x0  }
0x12: {  	s1 =	sld [smem:$0x3F9D];
	s0 =	simm.s32 @p0 $0x1  }
0x13: {  	[smem:$0x3FB8] =	sst s0;
	s0 =	simm.s32 @!p1 $0x0  }
0x14: {  	s2 =	sld [smem:$0x3F9C];
	s0 =	simm.s32 @p1 $0x1  }
0x15: {  	[smem:$0x3FB9] =	sst s0;
	s0 =	simm.s32 @!p2 $0x0  }
0x16: {  	s3 =	sld [smem:$0x3FDB];
	s0 =	simm.s32 @p2 $0x1  }
0x17: {  	s4 =	simm.s32 $0x1BF5;
	[smem:$0x3FBB] =	sst s0  }
0x18: {  	s0 =	sld [smem:$0x3F9E];
	_ =	swait.ge [sflag:s4], $0x0  }
0x19: {  	s7 =	sld [smem:$0x3F9F]  }
0x1a: {  	s8 =	sadd.s32 $0xFFFFE003, lr  }
0x1b: {  	s9 =	sadd.s32 $0xFFFFFEF7, lr;
	s5 =	simm.s32 $0xFFFFFFFF;
	p2 =	slt.u32 s8, $0xFFFFF086  }
0x1c: {  	p1 =	slt.u32 s9, $0xF7A;
	s5 =	simm.s32 @!p2 $0x0  }
0x1d: {  	s5 =	simm.s32 @p1 $0x1;
	p0 =	seq.s32 s7, s2  }
0x1e: {  	s7 =	smul.u32 @!p0 $0xF7A, s2;
	p2 =	seq.s32 @!p0 s5, $0x0  }
0x1f: {  	s9 =	smul.u32 $0xF7A, s1;
	s8 =	simm.s32 @!p0 $0x1BF5;
	p2 =	por !p2, p0  }
0x20: {  	[sflag:s8] =	ssyncset.s32 @!p0 $0xFFFFF086;
	s6 =	sadd.s32 @!p0 s3, s7;
	s7 =	simm.s32 @!p0 $0x108  }
0x21: {  	s3 =	sadd.s32 s3, s9;
	s6 =	sadd.s32 @!p0 $0x88, s6;
	s7 =	simm.s32 @p2 $0x1082  }
0x22: {  	[simem:s7], [sflag:s8] =	dma.local @!p0 [hbm:s6], $0xF7A  }
0x23: {  	s9 =	sor.u32 $0xD0000000, s2;
	s6 =	simm.s32 $0x108;
	_ =	swait.ge @!p0 [sflag:s8], $0x0  }
0x24: {  	s3 =	sadd.s32 $0x88, s3;
	s6 =	simm.s32 @!p1 $0x1082;
	[sflag:s4] =	ssyncset.s32 $0xFFFFF086  }
0x25: {  	[simem:s6], [sflag:s4] =	dma.local [hbm:s3], $0xF7A  }
0x26: {  	[smem:$0x3F9F] =	sst s1;
	(tag) =	ssettag s2;
	_ =	strace s9  }
0x27: {  	s1 =	sld [smem:$0x3FAF]  }
0x28: {  	s2 =	sld [smem:$0x3FB0]  }
0x29: {  	s4 =	sld [smem:$0x3FB2]  }
0x2a: {  	p0 =	seq.s32 s5, $0x0;
	s5 =	sld [smem:$0x3FB3]  }
0x2b: {  	s6 =	sld [smem:$0x3FB4]  }
0x2c: {  	s7 =	sld [smem:$0x3FB5]  }
0x2d: {  	s3 =	simm.s32 $0x108;
	s8 =	sld [smem:$0x3FB6]  }
0x2e: {  	s3 =	simm.s32 @!p0 $0x1082;
	s9 =	sld [smem:$0x3FB7]  }
0x2f: {  	lr =	sadd.s32 s0, s3;
	s0 =	sld [smem:$0x3FAE]  }
0x30: {  	s3 =	sld [smem:$0x3FB1]  }
0x31: {  	[smem:$0x3FBA] =	sst s10  }
0x32: {  	s10 =	sld [smem:$0x3FB8];
	_ =	sdelay $0x3  }
0x33: {  	p0 =	seq.s32 s10, $0x1;
	s10 =	sld [smem:$0x3FBA];
	_ =	sdelay $0x3  }
0x34: {  	[smem:$0x3FBA] =	sst s10  }
0x35: {  	s10 =	sld [smem:$0x3FB9];
	_ =	sdelay $0x3  }
0x36: {  	p1 =	seq.s32 s10, $0x1;
	s10 =	sld [smem:$0x3FBA];
	_ =	sdelay $0x3  }
0x37: {  	[smem:$0x3FBA] =	sst s10  }
0x38: {  	s10 =	sld [smem:$0x3FBB]  }
0x39: {  	_ = 	snop;
	(pc) =	sbr.ind lr, $3  }
0x3a: {  	_ = 	snop  }
0x3b: {  	_ = 	snop  }
0x3c: {  	p2 =	seq.s32 s10, $0x1;
	s10 =	sld [smem:$0x3FBA]  }
0x3d: {  	_ =	shalt  }
0x3e: {  	_ =	shalt  }
0x3f: {  	_ =	shalt  }
0x40: {  	_ =	shalt  }
0x41: {  	_ =	shalt  }
0x42: {  	_ =	shalt  }
0x43: {  	_ =	shalt  }
0x44: {  	_ =	shalt  }
0x45: {  	_ =	shalt  }
0x46: {  	_ =	shalt  }
0x47: {  	_ =	shalt  }
0x48: {  	_ =	shalt  }
0x49: {  	_ =	shalt  }
0x4a: {  	_ =	shalt  }
0x4b: {  	_ =	shalt  }
0x4c: {  	_ =	shalt  }
0x4d: {  	_ =	shalt  }
0x4e: {  	_ =	shalt  }
0x4f: {  	_ =	shalt  }
0x50: {  	_ =	shalt  }
0x51: {  	_ =	shalt  }
0x52: {  	_ =	shalt  }
0x53: {  	_ =	shalt  }
0x54: {  	_ =	shalt  }
0x55: {  	_ =	shalt  }
0x56: {  	_ =	shalt  }
0x57: {  	_ =	shalt  }
0x58: {  	_ =	shalt  }
0x59: {  	_ =	shalt  }
0x5a: {  	_ =	shalt  }
0x5b: {  	_ =	shalt  }
0x5c: {  	_ =	shalt  }
0x5d: {  	_ =	shalt  }
0x5e: {  	_ =	shalt  }
0x5f: {  	_ =	shalt  }
0x60: {  	_ =	shalt  }
0x61: {  	_ =	shalt  }
0x62: {  	_ =	shalt  }
0x63: {  	_ =	shalt  }
0x64: {  	_ =	shalt  }
0x65: {  	_ =	shalt  }
0x66: {  	_ =	shalt  }
0x67: {  	_ =	shalt  }
0x68: {  	_ =	shalt  }
0x69: {  	_ =	shalt  }
0x6a: {  	_ =	shalt  }
0x6b: {  	_ =	shalt  }
0x6c: {  	_ =	shalt  }
0x6d: {  	_ =	shalt  }
0x6e: {  	_ =	shalt  }
0x6f: {  	_ =	shalt  }
0x70: {  	_ =	shalt  }
0x71: {  	_ =	shalt  }
0x72: {  	_ =	shalt  }
0x73: {  	_ =	shalt  }
0x74: {  	_ =	shalt  }
0x75: {  	_ =	shalt  }
0x76: {  	_ =	shalt  }
0x77: {  	_ =	shalt  }
0x78: {  	_ =	shalt  }
0x79: {  	_ =	shalt  }
0x7a: {  	_ =	shalt  }
0x7b: {  	_ =	shalt  }
0x7c: {  	_ =	shalt  }
0x7d: {  	_ =	shalt  }
0x7e: {  	_ =	shalt  }
0x7f: {  	_ =	shalt  }
0x80: {  	_ =	shalt  }
0x81: {  	_ =	shalt  }
0x82: {  	_ =	shalt  }
0x83: {  	_ =	shalt  }
0x84: {  	_ =	shalt  }
0x85: {  	_ =	shalt  }
0x86: {  	_ =	shalt  }
0x87: {  	_ =	shalt  }
.Lfunc_end0:
.L_simem_size_0:
called_computation_lowered:
.L_overlay_start_0:
0x88: {  	s0 =	sld [smem:$0x3FD9]  }
0x89: {  	s1 =	sld [smem:$0x3FFE];
	_ =	sdelay $0x3  }
0x8a: {  	s0 =	sadd.s32 s1, s0  }
0x8b: {  	[smem:$0x3FC6] =	sst s0  }
0x8c: {  	_ = 	snop  }
0x8d: {  	s0 =	sld [smem:$0x3FC9]  }
0x8e: {  	s16 =	sld [smem:$0x3FD0];
	(tm) =	ssettm $0x1  }
0x8f: {  	s2 =	sld [smem:$0x3FFB];
	_ =	sdelay $0x3  }
0x90: {  	_ =	strace s2  }
0x91: {  	s2 =	sld [smem:$0x3FFC];
	_ =	sdelay $0x3  }
0x92: {  	_ =	strace s2  }
0x93: {  	s2 =	sld [smem:$0x3FFD];
	_ =	sdelay $0x3  }
0x94: {  	_ =	strace s2  }
0x95: {  	_ =	strace $0x8FFFFFFF  }
0x96: {  	s17 =	sld [smem:$0x3FDB];
	_ =	sdelay $0x1  }
0x97: {  	s3 =	simm.s32 $_scs_section_size  }
0x98: {  	s4 =	simm.s32 $_size__tile_overlayer_lowered;
	s5 =	simm.s32 $_tile_overlayer_lowered  }
0x99: {  	s20 =	simm.s32 $0x1BFF;
	s19 =	sshll.u32 s5, $0x1;
	s2 =	sadd.s32 s3, s17  }
0x9a: {  	s6 =	simm.s32 $0x0;
	s18 =	sshll.u32 s4, $0x1;
	s4 =	sadd.s32 s19, s2  }
0x9b: {  	[timem:s6], [sflag:s20] =	dma.local [hbm:s4], s18  }
0x9c: {  	_ =	swait.ge [sflag:s20], s18  }
0x9d: {  	s3 =	ssub.s32 $0x0, s18;
	[sflag:s20] =	ssyncset.done $0x0  }
0x9e: {  	[sflag:s20] =	ssyncadd.s32 s3;
	_ =	sdelay $0x1  }
0x9f: {  	s21 =	simm.s32 $0x1B8B  }
0xa0: {  	_ =	swait.ge [sflag:s21], $0x1  }
0xa1: {  	[sflag:s21] =	ssyncset.done $0x0  }
0xa2: {  	s23 =	simm.s32 $0x1B8E;
	s22 =	sld [smem:$0x3FFE];
	[sflag:s21] =	ssyncadd.s32 $0xFFFFFFFF  }
0xa3: {  	s24 =	simm.s32 $execute0_lowered;
	[smem:$0x3FD2] =	sst s23  }
0xa4: {  	s4 =	sshll.u32 s24, $0x1;
	_ =	strace $0x80000046;
	[dreg:$0x1] =	wrdreg $0xFFFFFFFF  }
0xa5: {  	s25 =	simm.s32 $_size_execute0_lowered;
	s2 =	sadd.s32 s2, s4;
	[dreg:$0x0] =	wrdreg $0x0  }
0xa6: {  	s4 =	sshll.u32 s25, $0x1;
	[dreg:$0x2] =	wrdreg s2  }
0xa7: {  	[dreg:$0x3] =	wrdreg s4  }
0xa8: {  	[dreg:$0x4] =	wrdreg $0xC0  }
0xa9: {  	_ =	task [dreg:s6], $0x5FFFF  }
0xaa: {  	[dreg:$0x1] =	wrdreg $0xFFFFFFFF  }
0xab: {  	[dreg:$0x0] =	wrdreg $0x60  }
0xac: {  	[dreg:$0x2] =	wrdreg s22  }
0xad: {  	[dreg:$0x3] =	wrdreg s0  }
0xae: {  	[dreg:$0x4] =	wrdreg s16  }
0xaf: {  	[dreg:$0x5] =	wrdreg $0x9  }
0xb0: {  	_ =	task.clear_ibuf [dreg:s6], $0x6FFFF;
	_ =	strace $0x90000046  }
0xb1: {  	s26 =	simm.s32 $0x9;
	_ =	strace $0x80000048  }
0xb2: {  	_ =	swait.ge [sflag:s26], $0x1  }
0xb3: {  	[sflag:s26] =	ssyncadd.s32 $0xFFFFFFFF  }
0xb4: {  	_ =	strace $0x90000048  }
0xb5: {  	_ =	sfence  }
0xb6: {  	s28 =	sld [smem:$0x0];
	_ =	sdelay $0x1  }
0xb7: {  	s29 =	srdreg.scid  }
0xb8: {  	s30 =	sshll.u32 s29, $0xD;
	s31 =	sshrl.u32 s29, $0x2  }
0xb9: {  	s1 =	sand.u32 $0x1, s29;
	s2 =	sand.u32 $0x4000, s30;
	s0 =	sadd.s32 s31, s28  }
0xba: {  	s1 =	sor.u32 s2, s1;
	s0 =	sshll.u32 s0, $0x11  }
0xbb: {  	s0 =	sor.u32 s0, s1  }
0xbc: {  	s0 =	sadd.s32 $0x8F2B, s0  }
0xbd: {  	[sflag:s0] =	ssyncadd.remote.s32 $0x1  }
0xbe: {  	_ =	sfence.sel $0xFFFF  }
0xbf: {  	[dreg:$0x0] =	wrdreg $0xFFFFFFFF;
	(pc) =	sbr.abs _section_cstart, $3  }
0xc0: {  	[dreg:$0x1] =	wrdreg $0xFFFFFFFF  }
0xc1: {  	_ =	task.clear_ibuf [dreg:s6], $0x2FFFF;
	_ =	strace $0x9FFFFFFF  }
0xc2: {  	(tm) =	ssettm $0x7FFFFFFF  }
0xc3: {  	_ =	shalt  }
tec
execute0_lowered:
.L_overlay_start_1:
0x0: {  	(tag) =	ssettag $0x1  }
0x1: {  	s3 =	rddreg [dreg:$0x0]  }
0x2: {  	s4 =	rddreg [dreg:$0x1]  }
0x3: {  	s2 =	rddreg [dreg:$0x2]  }
0x4: {  	s0 =	rddreg [dreg:$0x3];
	s5 =	simm.s32 $0x0;
	s1 =	stileid.u32  }
0x5: {  	[smem:$0x7FF] =	sst s5;
	s6 =	sshll.u32 s1, $0x3;
	s7 =	sadd.s32 $0x600, s3  }
0x6: {  	s8 =	sshll.u32 s1, $0x7;
	_ =	strace $0x80000047;
	s3 =	sor.u32 $0x4, s6  }
0x7: {  	[tilespmem:s5], [sflag:$0x1] =	stream.linear.gather [hbm4b:s7+s5], $0x80, $0x38;
	[tilespmem:$0xC80] =	vst v63  }
0x8: {  	s31 =	simm.s32 $0x80;
	s29 =	sadd.s32 s4, s8;
	s30 =	sshll.u32 s3, $0x4  }
0x9: {  	[tilespmem:s31], [sflag:$0x2] =	stream.linear.gather [hbm4b:s29+s5], $0x200, $0x38;
	[tilespmem:$0xC80] =	vst v63  }
0xa: {  	s16 =	simm.s32 $0x280;
	s9 =	simm.s32 $0x1;
	s4 =	sadd.s32 s4, s30  }
0xb: {  	[tilespmem:s16], [sflag:$0x3] =	stream.linear.gather [hbm4b:s4+s5], $0x200, $0x38;
	[tilespmem:$0xC80] =	vst v63  }
0xc: {  	_ =	swait.ge [sflag:s9], $0x80  }
0xd: {  	[sflag:s9] =	ssyncset.done $0x0  }
0xe: {  	[sflag:s9] =	ssyncadd.s32 $0xFFFFFF80  }
0xf: {  	v0 =	vld [tilespmem:$0x0];
	_ =	sdelay $0x4  }
0x10: {  	v0 =	vsub.f32 $0.0e+00, v0;
	_ =	sdelay $0x1  }
0x11: {  	v0 =	vmul.f32 $1.442695020e+00, v0;
	_ =	sdelay $0x1  }
0x12: {  	(erf) = vpow2.f32 v0;
	_ =	sdelay $0x8  }
0x13: {  	v0 =	vpop (erf)  }
0x14: {  	v0 =	vadd.f32 $1.000000000e+00, v0;
	_ =	sdelay $0x1  }
0x15: {  	(erf) = vrcp.f32 v0;
	_ =	sdelay $0x8  }
0x16: {  	s17 =	simm.s32 $0x2;
	v0 =	vpop (erf)  }
0x17: {  	s10 =	sand.u32 $0x40, s5;
	s18 =	sand.u32 $0x180, s5;
	_ =	swait.ge [sflag:s17], $0x200  }
0x18: {  	s6 =	sadd.s32 $0x80, s18;
	s11 =	sor.u32 $0x30, s10;
	[sflag:s17] =	ssyncset.done $0x0  }
0x19: {  	s12 =	sor.u32 $0x10, s10;
	s19 =	sor.u32 s11, s6;
	[sflag:s17] =	ssyncadd.s32 $0xFFFFFE00  }
0x1a: {  	s14 =	sor.u32 $0x20, s10;
	s20 =	sor.u32 s12, s6;
	v1 =	vld [tilespmem:s19+$0x0]  }
0x1b: {  	p0 =	por $0x0, $0x0;
	s6 =	sor.u32 s14, s6;
	s4 =	simm.s32 $0x1;
	v2 =	vld [tilespmem:s20+$0x0]  }
0x1c: {  	s4 =	simm.s32 @!p0 $0x0;
	v3 =	vld [tilespmem:s6+$0x0]  }
0x1d: {  	s22 =	simm.s32 $0x40;
	s5 =	sand.u32 $0x300, s5;
	s4 =	sshll.u32 s4, $0x6  }
0x1e: {  	s23 =	sand.u32 $0x180, s22;
	s15 =	sor.u32 $0x480, s5;
	s13 =	sadd.s32 $0x0, s4  }
0x1f: {  	s4 =	sand.u32 $0x40, s22;
	s21 =	sadd.s32 $0x30, s13;
	s18 =	sadd.s32 $0x10, s13;
	v1 =	vperm.xlane v0, v1  }
0x20: {  	s16 =	sor.u32 $0x80, s21;
	s17 =	sadd.s32 $0x80, s23;
	v5 =	vld [tilespmem:s31+$0x0];
	s6 =	sor.u32 $0x10, s4;
	v2 =	vperm.xlane v0, v2  }
0x21: {  	s5 =	sor.u32 $0x30, s4;
	s26 =	sor.u32 $0x80, s18;
	s25 =	sor.u32 s6, s17;
	v3 =	vperm.xlane v0, v3;
	v4 =	vsub.f32 $1.000000000e+00, v1;
	[tilespmem:s16+$0x480] =	vst v1  }
0x22: {  	s11 =	sor.u32 s11, s15;
	s28 =	sadd.s32 $0x20, s13;
	s24 =	sor.u32 s5, s17;
	v6 =	vld [tilespmem:s25+$0x0];
	[tilespmem:s26+$0x480] =	vst v2  }
0x23: {  	s8 =	sor.u32 $0x20, s4;
	s29 =	sor.u32 $0x80, s28;
	v1 =	vld [tilespmem:s24+$0x0];
	[tilespmem:s11+$0x0] =	vst v4;
	v4 =	vsub.f32 $1.000000000e+00, v2;
	v2 =	vsub.f32 $1.000000000e+00, v3  }
0x24: {  	p0 =	por !p0, !p0;
	s31 =	sor.u32 s14, s15;
	s17 =	sor.u32 s8, s17;
	[tilespmem:s29+$0x480] =	vst v3  }
0x25: {  	s7 =	simm.s32 $0x4;
	s9 =	simm.s32 @!p0 $0x0;
	s30 =	sor.u32 $0x80, s13;
	v5 =	vperm.xlane v0, v5;
	[tilespmem:s31+$0x0] =	vst v2;
	v2 =	vld [tilespmem:s17+$0x0]  }
0x26: {  	s13 =	sor.u32 s10, s15;
	s9 =	sshll.u32 s9, $0x6;
	s10 =	simm.s32 $0x80  }
0x27: {  	s12 =	sor.u32 s12, s15;
	s9 =	sadd.s32 $0x80, s9;
	s14 =	sand.u32 $0x300, s10;
	[tilespmem:s30+$0x480] =	vst v5  }
0x28: {  	s15 =	sadd.s32 $0x30, s9;
	s11 =	simm.s32 $0xC0;
	[tilespmem:s12+$0x0] =	vst v4;
	v4 =	vsub.f32 $1.000000000e+00, v5;
	s12 =	simm.s32 $0x80;
	v3 =	vperm.xlane v0, v1;
	v1 =	vperm.xlane v0, v6  }
.LBB2_1:
0x29: {  	s16 =	sand.u32 $0x40, s12  }
0x2a: {  	s14 =	sor.u32 $0x480, s14;
	v5 =	vperm.xlane v0, v2;
	s15 =	sor.u32 $0x80, s15;
	v2 =	vsub.f32 $1.000000000e+00, v3;
	[tilespmem:s13+$0x0] =	vst v4;
	s17 =	smov.u32 s8  }
0x2b: {  	s8 =	sand.u32 $0x180, s12;
	s7 =	sadd.s32 $0x4, s7;
	v4 =	vsub.f32 $1.000000000e+00, v1;
	[tilespmem:s15+$0x480] =	vst v3;
	s13 =	sor.u32 s5, s14  }
0x2c: {  	s15 =	sadd.s32 $0x80, s8;
	s5 =	sor.u32 $0x30, s16;
	p1 =	slt.u32 s7, $0x1C;
	v3 =	vld [tilespmem:s11+$0x0];
	v6 =	vsub.f32 $1.000000000e+00, v5;
	[tilespmem:s13+$0x0] =	vst v2  }
0x2d: {  	s18 =	sor.u32 $0x10, s16;
	s8 =	sor.u32 $0x20, s16;
	s13 =	sor.u32 s5, s15  }
0x2e: {  	s19 =	sor.u32 s18, s15;
	s15 =	sor.u32 s8, s15;
	v7 =	vld [tilespmem:s13+$0x0];
	s13 =	sadd.s32 $0x10, s9  }
0x2f: {  	p0 =	por !p0, !p0;
	v8 =	vld [tilespmem:s19+$0x0];
	s19 =	sor.u32 $0x80, s9  }
0x30: {  	s20 =	sor.u32 $0x80, s13;
	s9 =	sadd.s32 $0x20, s9;
	s13 =	sor.u32 s4, s14  }
.Ltmp0:
0x31: {  	v2 =	vld [tilespmem:s15+$0x0];
	[tilespmem:s20+$0x480] =	vst v1;
	s4 =	sor.u32 $0x80, s9;
	s9 =	simm.s32 $0x1;
	(pc) =	sbr.rel @p1 .LBB2_1-.Ltmp0, $4  }
0x32: {  	s6 =	sor.u32 s6, s14;
	s14 =	sor.u32 s17, s14;
	s9 =	simm.s32 @!p0 $0x0;
	v9 =	vperm.xlane v0, v3;
	[tilespmem:s4+$0x480] =	vst v5  }
0x33: {  	s10 =	sadd.s32 $0x80, s10;
	s4 =	smov.u32 s16;
	s9 =	sshll.u32 s9, $0x6;
	[tilespmem:s6+$0x0] =	vst v4  }
0x34: {  	s11 =	sadd.s32 $0x40, s11;
	s6 =	smov.u32 s18;
	s9 =	sadd.s32 s9, s10;
	v3 =	vperm.xlane v0, v7;
	v4 =	vsub.f32 $1.000000000e+00, v9;
	[tilespmem:s14+$0x0] =	vst v6  }
0x35: {  	s12 =	sadd.s32 $0x40, s12;
	s14 =	sand.u32 $0x300, s10;
	v1 =	vperm.xlane v0, v8;
	s15 =	sadd.s32 $0x30, s9;
	[tilespmem:s19+$0x480] =	vst v9  }
0x36: {  	v5 =	vld [tilespmem:s11+$0x0]  }
0x37: {  	s7 =	sor.u32 $0x480, s14;
	s10 =	sor.u32 $0x80, s15;
	v6 =	vsub.f32 $1.000000000e+00, v3;
	[tilespmem:s13+$0x0] =	vst v4  }
0x38: {  	s18 =	sadd.s32 $0x10, s9;
	[tilespmem:s10+$0x480] =	vst v3;
	s5 =	sor.u32 s5, s7  }
0x39: {  	v2 =	vperm.xlane v0, v2;
	s20 =	sadd.s32 $0x20, s9;
	s19 =	sor.u32 $0x80, s18;
	[tilespmem:s5+$0x0] =	vst v6  }
0x3a: {  	s23 =	sor.u32 $0x80, s9;
	s24 =	sshll.u32 s1, $0x8;
	v3 =	vsub.f32 $1.000000000e+00, v1;
	s21 =	sor.u32 $0x80, s20;
	[tilespmem:s19+$0x480] =	vst v1  }
0x3b: {  	s26 =	simm.s32 $0x0;
	s28 =	simm.s32 $0x480;
	s6 =	sor.u32 s6, s7;
	v1 =	vsub.f32 $1.000000000e+00, v2;
	[tilespmem:s21+$0x480] =	vst v2;
	v4 =	vperm.xlane v0, v5  }
0x3c: {  	s29 =	simm.s32 $0x3;
	s30 =	simm.s32 $0x230;
	s22 =	sor.u32 s8, s7;
	[tilespmem:s6+$0x0] =	vst v3  }
0x3d: {  	s31 =	simm.s32 $0x2B0;
	s9 =	simm.s32 $0x0;
	p0 =	por $0x0, $0x0;
	[tilespmem:s22+$0x0] =	vst v1;
	v2 =	vsub.f32 $1.000000000e+00, v4  }
0x3e: {  	s12 =	simm.s32 $0x1;
	s11 =	simm.s32 $0x210;
	s4 =	sor.u32 s4, s7;
	[tilespmem:s23+$0x480] =	vst v4  }
0x3f: {  	s13 =	simm.s32 $0x220;
	s16 =	simm.s32 $0x40;
	s25 =	sadd.s32 s2, s24;
	[tilespmem:s4+$0x0] =	vst v2  }
0x40: {  	[hbm4b:s25+s26] =	stream.linear.scatter [tilespmem:s28], [sflag:$0x4], $0x400, $0x38;
	[tilespmem:$0xC80] =	vst v63  }
0x41: {  	s15 =	simm.s32 $0x4C0;
	s10 =	simm.s32 $0x200;
	_ =	swait.ge [sflag:s29], $0x200  }
0x42: {  	s7 =	sand.u32 $0x380, s10;
	s6 =	sand.u32 $0x40, s9;
	[sflag:s29] =	ssyncset.done $0x0  }
0x43: {  	s8 =	simm.s32 $0x460;
	s7 =	sor.u32 s6, s7;
	[sflag:s29] =	ssyncadd.s32 $0xFFFFFE00  }
0x44: {  	s14 =	sand.u32 $0x50, s11;
	s20 =	sand.u32 $0x70, s30;
	s24 =	simm.s32 $0x440;
	v1 =	vld [tilespmem:s7+$0x80]  }
0x45: {  	s18 =	simm.s32 $0x240;
	s11 =	simm.s32 $0x2F0;
	s7 =	simm.s32 $0x1;
	v2 =	vld [tilespmem:s31+$0xFFFFFFE0]  }
0x46: {  	s10 =	sand.u32 $0x60, s13;
	s5 =	simm.s32 $0x4;
	v3 =	vld [tilespmem:s31+$0xFFFFFFF0];
	s7 =	simm.s32 @!p0 $0x0  }
0x47: {  	s13 =	sand.u32 $0x700, s24;
	s8 =	sand.u32 $0x700, s8;
	v4 =	vld [tilespmem:s31+$0x0];
	s21 =	sshll.u32 s7, $0x6  }
0x48: {  	s13 =	sor.u32 s10, s13;
	s23 =	simm.s32 $0x420;
	s4 =	sadd.s32 $0x400, s21  }
0x49: {  	s26 =	sand.u32 $0x380, s18;
	s17 =	sor.u32 $0x80, s4;
	s4 =	sand.u32 $0x40, s16;
	v1 =	vperm.xlane v0, v1  }
0x4a: {  	s22 =	simm.s32 $0x400;
	s30 =	sand.u32 $0x700, s23;
	v6 =	vperm.xlane v0, v2;
	s16 =	sor.u32 s4, s26  }
0x4b: {  	s10 =	sor.u32 s20, s8;
	s31 =	sor.u32 s14, s30;
	s7 =	sand.u32 $0x700, s22;
	v2 =	vperm.xlane v0, v3;
	v7 =	vld [tilespmem:s16+$0x80];
	v5 =	vsub.f32 $1.000000000e+00, v1;
	[tilespmem:s17+$0x480] =	vst v1  }
0x4c: {  	s8 =	simm.s32 $0x4E0;
	s25 =	simm.s32 $0x270;
	s19 =	sor.u32 s6, s7;
	v3 =	vsub.f32 $1.000000000e+00, v6;
	v1 =	vperm.xlane v0, v4;
	[tilespmem:s31+$0x500] =	vst v6  }
0x4d: {  	s28 =	simm.s32 $0x250;
	s9 =	sand.u32 $0x70, s25;
	p0 =	por !p0, !p0;
	v4 =	vsub.f32 $1.000000000e+00, v2;
	[tilespmem:s19+$0x480] =	vst v5  }
0x4e: {  	s29 =	simm.s32 $0x260;
	s14 =	simm.s32 $0x4A0;
	s12 =	simm.s32 @!p0 $0x0;
	[tilespmem:s31+$0x480] =	vst v3;
	v5 =	vsub.f32 $1.000000000e+00, v1  }
0x4f: {  	s6 =	sand.u32 $0x50, s28;
	s7 =	sand.u32 $0x60, s29;
	s12 =	sshll.u32 s12, $0x6;
	[tilespmem:s13+$0x480] =	vst v4;
	v3 =	vld [tilespmem:s11+$0xFFFFFFE0]  }
0x50: {  	s16 =	simm.s32 $0x480;
	s17 =	sadd.s32 $0x480, s12;
	s12 =	simm.s32 $0x2B0;
	v4 =	vld [tilespmem:s11+$0xFFFFFFF0];
	[tilespmem:s10+$0x480] =	vst v5;
	v5 =	vperm.xlane v0, v7  }
.LBB2_3:
0x51: {  	s18 =	sadd.s32 $0xFFFFFDD0, s12;
	s16 =	sand.u32 $0x700, s16;
	s17 =	sor.u32 $0x80, s17  }
0x52: {  	v6 =	vsub.f32 $1.000000000e+00, v5;
	v7 =	vld [tilespmem:s11+$0x0];
	[tilespmem:s13+$0x500] =	vst v2;
	s19 =	smov.u32 s9;
	s9 =	sadd.s32 $0xFFFFFFD0, s12;
	s5 =	sadd.s32 $0x4, s5  }
0x53: {  	p0 =	por !p0, !p0;
	[tilespmem:s17+$0x480] =	vst v5;
	s13 =	sor.u32 s4, s16;
	s4 =	sand.u32 $0x40, s18  }
0x54: {  	s9 =	sand.u32 $0x380, s9;
	p1 =	slt.u32 s5, $0x1C;
	s16 =	sadd.s32 $0xFFFFFFF0, s12;
	[tilespmem:s13+$0x480] =	vst v6  }
0x55: {  	s9 =	sor.u32 s4, s9;
	s13 =	sadd.s32 $0xFFFFFFE0, s12;
	s16 =	sand.u32 $0x60, s16;
	v6 =	vperm.xlane v0, v3;
	[tilespmem:s10+$0x500] =	vst v1  }
0x56: {  	s17 =	sand.u32 $0x50, s13;
	s10 =	sand.u32 $0x700, s14;
	s13 =	sand.u32 $0x700, s15;
	v3 =	vld [tilespmem:s9+$0x80];
	v2 =	vperm.xlane v0, v4  }
0x57: {  	s14 =	sand.u32 $0x700, s8;
	s9 =	sand.u32 $0x70, s12;
	s18 =	sor.u32 s6, s10;
	v4 =	vsub.f32 $1.000000000e+00, v6;
	v1 =	vperm.xlane v0, v7  }
.Ltmp1:
0x58: {  	s13 =	sor.u32 s7, s13;
	s10 =	sor.u32 s19, s14;
	v5 =	vsub.f32 $1.000000000e+00, v2;
	(pc) =	sbr.rel @p1 .LBB2_3-.Ltmp1, $4  }
0x59: {  	s6 =	smov.u32 s17;
	s7 =	smov.u32 s16;
	s14 =	simm.s32 $0x1;
	[tilespmem:s18+$0x480] =	vst v4;
	v4 =	vsub.f32 $1.000000000e+00, v1  }
0x5a: {  	s11 =	sadd.s32 $0x40, s11;
	s8 =	sadd.s32 $0x80, s8;
	s14 =	simm.s32 @!p0 $0x0;
	[tilespmem:s13+$0x480] =	vst v5  }
0x5b: {  	s16 =	sadd.s32 $0xFFFFFFA0, s8;
	s15 =	sshll.u32 s14, $0x6;
	s14 =	sadd.s32 $0xFFFFFFC0, s8;
	v5 =	vperm.xlane v0, v3;
	v3 =	vld [tilespmem:s11+$0xFFFFFFE0];
	[tilespmem:s10+$0x480] =	vst v4  }
0x5c: {  	s12 =	sadd.s32 $0x40, s12;
	s17 =	sadd.s32 s15, s16;
	s15 =	sadd.s32 $0xFFFFFFE0, s8;
	v4 =	vld [tilespmem:s11+$0xFFFFFFF0];
	[tilespmem:s18+$0x500] =	vst v6  }
0x5d: {  	_ = 	snop  }
0x5e: {  	v6 =	vld [tilespmem:s11+$0x0];
	[tilespmem:s13+$0x500] =	vst v2  }
0x5f: {  	s5 =	sand.u32 $0x700, s16;
	s24 =	sor.u32 $0x80, s17;
	v7 =	vsub.f32 $1.000000000e+00, v5;
	[tilespmem:s10+$0x500] =	vst v1  }
0x60: {  	s25 =	sand.u32 $0x700, s14;
	[tilespmem:s24+$0x480] =	vst v5;
	s4 =	sor.u32 s4, s5;
	v58 =	vperm.xlane v0, v3  }
0x61: {  	s26 =	sand.u32 $0x700, s15;
	[tilespmem:s4+$0x480] =	vst v7;
	s4 =	sor.u32 s6, s25;
	v59 =	vperm.xlane v0, v4  }
0x62: {  	s5 =	sor.u32 s7, s26;
	v60 =	vsub.f32 $1.000000000e+00, v58;
	[tilespmem:s4+$0x500] =	vst v58  }
0x63: {  	s28 =	sand.u32 $0x700, s8;
	v61 =	vperm.xlane v0, v6;
	[tilespmem:s5+$0x500] =	vst v59  }
0x64: {  	s6 =	sor.u32 s9, s28;
	v62 =	vsub.f32 $1.000000000e+00, v59;
	[tilespmem:s4+$0x480] =	vst v60  }
0x65: {  	v63 =	vsub.f32 $1.000000000e+00, v61;
	[tilespmem:s6+$0x500] =	vst v61  }
0x66: {  	s3 =	sshll.u32 s3, $0x5;
	s29 =	simm.s32 $0x0;
	[tilespmem:s5+$0x480] =	vst v62  }
0x67: {  	s30 =	simm.s32 $0x880;
	s31 =	simm.s32 $0x4;
	s2 =	sadd.s32 s2, s3;
	[tilespmem:s6+$0x480] =	vst v63  }
0x68: {  	[hbm4b:s2+s29] =	stream.linear.scatter [tilespmem:s30], [sflag:$0x4], $0x400, $0x38;
	[tilespmem:$0xC80] =	vst v63  }
0x69: {  	_ =	swait.ge [sflag:s31], $0x400  }
0x6a: {  	[sflag:s31] =	ssyncset.done $0x0  }
0x6b: {  	[sflag:s31] =	ssyncadd.s32 $0xFFFFFC00  }
0x6c: {  	_ =	swait.ge [sflag:s31], $0x400  }
0x6d: {  	[sflag:s31] =	ssyncset.done $0x0  }
0x6e: {  	[sflag:s31] =	ssyncadd.s32 $0xFFFFFC00  }
0x6f: {  	_ =	sfence.sel $0x180000  }
0x70: {  	[bflag:$0x0] =	sbarrier.arrive $0xFFFF  }
0x71: {  	p0 =	sne.s32 s1, $0x0;
	_ =	strace $0x90000047  }
0x72: {  	s0 =	sadd.s32 @!p0 $0x100000, s0;
	[bflag:$0x2] =	sbarrier.arrive $0xFFFF  }
0x73: {  	[sflag:s0] =	ssyncadd.tile.s32 @!p0 $0x1;
	_ =	shalt  }
.Lfunc_end2:
_tile_overlayer_lowered:
.L_overlay_start_2:
0x74: {  	(tag) =	ssettag $0x2  }
0x75: {  	s0 =	rddreg [dreg:$0x0];
	s2 =	stileid.u32  }
0x76: {  	s1 =	rddreg [dreg:$0x1];
	p0 =	sne.s32 s2, $0x0  }
0x77: {  	s3 =	rddreg [dreg:$0x2];
	[bflag:$0x3] =	sbarrier.arrive $0xFFFF;
	s2 =	simm.s32 @!p0 $0x1C05  }
0x78: {  	[timem:s3], [sflag:s2] =	dma.local @!p0 [hbm:s0], s1  }
0x79: {  	s0 =	simm.s32 @!p0 $0x5  }
0x7a: {  	_ =	swait.ge @!p0 [sflag:s0], s1  }
0x7b: {  	s1 =	ssub.s32 @!p0 $0x0, s1;
	[sflag:s0] =	ssyncset.done @!p0 $0x0  }
0x7c: {  	[sflag:s0] =	ssyncadd.s32 @!p0 s1  }
0x7d: {  	[bflag:$0x3] =	sbarrier.arrive $0xFFFF  }
0x7e: {  	_ =	shalt  }

</sc_bundles>
